<compile_context>
chip_gen: v7x
topology: tpu7x:2x2x1
jax: 0.10.2.dev20260603
libtpu: 0.0.44.dev20260713+nightly
codegen_flags: <defaults>
</compile_context>

<pallas_src>
import jax
import jax.numpy as jnp
from jax import lax
from jax.experimental import pallas as pl
from jax.experimental.pallas import tpu as pltpu
from jax.experimental.pallas import tpu_sc as plsc

B = 16
T = 16384
MAXSEQ = 2048
L = MAXSEQ + 2
L_PAD = 2176
CLS_ID = 2
SEP_ID = 3
LANES = 16
NCHUNK = (MAXSEQ + LANES) // LANES
WIN = 2080
WIN_BUF = 4176


def _row_body(tokens_hbm, splits_hbm, out_hbm, splits_v, win_v, row_v):
    wid = lax.axis_index("s")
    pltpu.sync_copy(splits_hbm, splits_v.at[pl.ds(0, B + 1)])
    lane = lax.broadcasted_iota(jnp.int32, (LANES,), 0)
    start = splits_v[pl.ds(wid, LANES)][0]
    end = splits_v[pl.ds(wid + 1, LANES)][0]
    ln = end - start
    start_al = jnp.minimum((start // 8) * 8, T - WIN)
    off = start - start_al
    pltpu.sync_copy(tokens_hbm.at[pl.ds(start_al, WIN)], win_v.at[pl.ds(0, WIN)])

    @plsc.parallel_loop(0, NCHUNK * LANES, step=LANES, unroll=4)
    def chunk(i):
        idx = lane + i
        tok = win_v[pl.ds(off + i, LANES)]
        val = jnp.where(idx < ln, tok,
                        jnp.where(idx == ln,
                                  jnp.full((LANES,), SEP_ID, jnp.int32),
                                  jnp.zeros((LANES,), jnp.int32)))
        row_v[pl.ds(1 + i, LANES)] = val

    head = row_v[pl.ds(0, LANES)]
    row_v[pl.ds(0, LANES)] = jnp.where(
        lane == 0, jnp.full((LANES,), CLS_ID, jnp.int32), head)
    pltpu.sync_copy(row_v.at[pl.ds(0, L_PAD)], out_hbm.at[wid])


def kernel(token_ids, row_splits):
    mesh = plsc.VectorSubcoreMesh(core_axis_name="c", subcore_axis_name="s", num_cores=1)
    f = pl.kernel(
        _row_body,
        out_type=jax.ShapeDtypeStruct((B, L_PAD), jnp.int32),
        mesh=mesh,
        scratch_types=[
            pltpu.VMEM((3 * B,), jnp.int32),
            pltpu.VMEM((WIN_BUF,), jnp.int32),
            pltpu.VMEM((L_PAD,), jnp.int32),
        ],
    )
    return f(token_ids, row_splits)[:, :L]

# --- scband reference (transcript-rebuilt; emitter-appended) ---
"""Pipeline reference for scband-bert-preprocessing-layer-37151467111312 (READ-ONLY COPY).

The authoritative reference and input builder live on the scoring server;
editing this copy changes nothing except your own understanding.
"""

import jax, jax.numpy as jnp
import numpy as np

B = 16
MAXSEQ = 2048
T = B * MAXSEQ // 2  # 16384 flat tokens
VOCAB = 30522
CLS_ID = 2
SEP_ID = 3
L = MAXSEQ + 2  # padded width after adding [CLS] and [SEP]


def setup_inputs(seed: int = 0) -> dict:
    key = jax.random.key(seed)
    k1, k2 = jax.random.split(key)
    # flat (post-tokenizer) wordpiece ids for all rows, merged ragged dims
    token_ids = jax.random.randint(k1, (T,), 0, VOCAB, dtype=jnp.int32)
    # generate ragged row lengths that sum exactly to T, each in [1, MAXSEQ]
    half = jax.random.randint(k2, (B // 2,), 1, MAXSEQ, dtype=jnp.int32)
    lengths = jnp.stack([half, MAXSEQ - half], axis=1).reshape(-1)
    row_splits = jnp.concatenate([jnp.zeros((1,), jnp.int32), jnp.cumsum(lengths).astype(jnp.int32)])
    return {"token_ids": token_ids, "row_splits": row_splits}


def reference(token_ids, row_splits):
    # Faithful jax translation of BertPreprocessingLayer.call, starting from the
    # ragged tokenized representation (flat ids + row_splits), since jax has no
    # string ops. Reproduces: concat([[CLS], tokens, [SEP]], axis=1).to_tensor(0).
    flat_idx = jnp.arange(T)
    # which ragged row each flat token belongs to
    rows = jnp.searchsorted(row_splits, flat_idx, side='right') - 1
    # column inside the row; +1 leaves room for the leading [CLS]
    cols = flat_idx - row_splits[rows] + 1
    lengths = row_splits[1:] - row_splits[:-1]
    # to_tensor(0): dense padded output, default 0
    out = jnp.zeros((B, L), dtype=token_ids.dtype)
    # scatter the ragged tokens into the dense tensor
    out = out.at[rows, cols].set(token_ids)
    # prepend [CLS] to every row
    out = out.at[:, 0].set(jnp.asarray(CLS_ID, dtype=token_ids.dtype))
    # append [SEP] right after each row's last token
    out = out.at[jnp.arange(B), lengths + 1].set(jnp.asarray(SEP_ID, dtype=token_ids.dtype))
    return out

if __name__ == "__main__":
    import jax
    _d = setup_inputs()
    print(jax.jit(kernel)(*tuple(_d.values())))

</pallas_src>

<mosaic_0001>
#map = affine_map<(d0, d1) -> (0)>
#map1 = affine_map<(d0, d1) -> (0, 0)>
module attributes {stable_mosaic.version = 14 : i64} {
  func.func @_row_body(%arg0: i32, %arg1: i32, %arg2: memref<16384xi32, #tpu.memory_space<hbm>>, %arg3: memref<17xi32, #tpu.memory_space<hbm>>, %arg4: memref<16x2176xi32, #tpu.memory_space<hbm>>, %arg5: memref<48xi32, #tpu.memory_space<vmem>>, %arg6: memref<4176xi32, #tpu.memory_space<vmem>>, %arg7: memref<2176xi32, #tpu.memory_space<vmem>>) attributes {dimension_semantics = [#tpu.dimension_semantics<core_parallel>, #tpu.dimension_semantics<subcore_parallel>], iteration_bounds = array<i64: 1, 16>, scalar_prefetch = 0 : i64, scratch_operands = 3 : i64, tpu.core_type = #tpu.core_type<sc_vector_subcore>, window_params = [{transform_indices = #map}, {transform_indices = #map}, {transform_indices = #map1}]} {
    "tpu.region"() ({
      %run_scoped3A = tpu.sem_alloc : memref<!tpu.dma_semaphore, #tpu.memory_space<semaphore_mem>>
      %dma_start3A = arith.constant 0 : i32
      %dma_start3A_40 = tpu.memref_slice %arg5[%dma_start3A] : memref<48xi32, #tpu.memory_space<vmem>> -> memref<17xi32, #tpu.memory_space<vmem>>
      %dma_start3A_41 = arith.constant 0 : i32
      %dma_start3A_42 = tpu.memref_slice %arg5[%dma_start3A_41] : memref<48xi32, #tpu.memory_space<vmem>> -> memref<17xi32, #tpu.memory_space<vmem>>
      tpu.enqueue_dma source(%arg3 : memref<17xi32, #tpu.memory_space<hbm>>) target(%dma_start3A_42 : memref<17xi32, #tpu.memory_space<vmem>>) target_semaphore(%run_scoped3A : memref<!tpu.dma_semaphore, #tpu.memory_space<semaphore_mem>>)
      %dma_wait3A = arith.constant 0 : i32
      %dma_wait3A_43 = tpu.memref_slice %arg5[%dma_wait3A] : memref<48xi32, #tpu.memory_space<vmem>> -> memref<17xi32, #tpu.memory_space<vmem>>
      %dma_wait3A_44 = arith.constant 0 : i32
      %dma_wait3A_45 = tpu.memref_slice %arg5[%dma_wait3A_44] : memref<48xi32, #tpu.memory_space<vmem>> -> memref<17xi32, #tpu.memory_space<vmem>>
      tpu.wait_dma2 semaphore(%run_scoped3A : memref<!tpu.dma_semaphore, #tpu.memory_space<semaphore_mem>>) src(%arg3 : memref<17xi32, #tpu.memory_space<hbm>>) dst(%dma_wait3A_45 : memref<17xi32, #tpu.memory_space<vmem>>)
      tpu.yield
    }) : () -> ()
    %iota3A = tpu.iota {dimensions = array<i32: 0>} : vector<16xi32>
    %get3A = arith.index_cast %arg1 : i32 to index
    %get3A_0 = tpu.vector_load %arg5[%get3A] {strides = array<i32>} : memref<48xi32, #tpu.memory_space<vmem>>, vector<16xi32>,
    %get3A_1 = vector.shape_cast %get3A_0 : vector<16xi32> to vector<16xi32>
    %slice3A = vector.extract_strided_slice %get3A_1 {offsets = [0], sizes = [1], strides = [1]} : vector<16xi32> to vector<1xi32>
    %squeeze3A = vector.extract %slice3A[0] : i32 from vector<1xi32>
    %add3A = arith.constant 1 : i32
    %add3A_2 = arith.addi %arg1, %add3A : i32
    %get3A_3 = arith.index_cast %add3A_2 : i32 to index
    %get3A_4 = tpu.vector_load %arg5[%get3A_3] {strides = array<i32>} : memref<48xi32, #tpu.memory_space<vmem>>, vector<16xi32>,
    %get3A_5 = vector.shape_cast %get3A_4 : vector<16xi32> to vector<16xi32>
    %slice3A_6 = vector.extract_strided_slice %get3A_5 {offsets = [0], sizes = [1], strides = [1]} : vector<16xi32> to vector<1xi32>
    %squeeze3A_7 = vector.extract %slice3A_6[0] : i32 from vector<1xi32>
    %sub3A = arith.subi %squeeze3A_7, %squeeze3A : i32
    %jit3A = arith.constant 8 : i32
    %div3A = arith.divsi %squeeze3A, %jit3A : i32
    %sign3A = arith.constant 0 : i32
    %sign3A_8 = arith.cmpi sgt, %squeeze3A, %sign3A : i32
    %sign3A_9 = arith.extui %sign3A_8 : i1 to i32
    %sign3A_10 = arith.constant 0 : i32
    %sign3A_11 = arith.cmpi slt, %squeeze3A, %sign3A_10 : i32
    %sign3A_12 = arith.extui %sign3A_11 : i1 to i32
    %sign3A_13 = arith.subi %sign3A_9, %sign3A_12 : i32
    %sign3A_14 = arith.constant 0 : i32
    %sign3A_15 = arith.cmpi sgt, %jit3A, %sign3A_14 : i32
    %sign3A_16 = arith.extui %sign3A_15 : i1 to i32
    %sign3A_17 = arith.constant 0 : i32
    %sign3A_18 = arith.cmpi slt, %jit3A, %sign3A_17 : i32
    %sign3A_19 = arith.extui %sign3A_18 : i1 to i32
    %sign3A_20 = arith.subi %sign3A_16, %sign3A_19 : i32
    %ne3A = arith.cmpi ne, %sign3A_13, %sign3A_20 : i32
    %rem3A = arith.remsi %squeeze3A, %jit3A : i32
    %ne3A_21 = arith.constant 0 : i32
    %ne3A_22 = arith.cmpi ne, %rem3A, %ne3A_21 : i32
    %and3A = arith.andi %ne3A, %ne3A_22 : i1
    %sub3A_23 = arith.constant 1 : i32
    %sub3A_24 = arith.subi %div3A, %sub3A_23 : i32
    %select_n3A = arith.select %and3A, %sub3A_24, %div3A : i32
    %mul3A = arith.constant 8 : i32
    %mul3A_25 = arith.muli %select_n3A, %mul3A : i32
    %min3A = arith.constant 14304 : i32
    %min3A_26 = arith.minsi %mul3A_25, %min3A : i32
    %sub3A_27 = arith.subi %squeeze3A, %min3A_26 : i32
    "tpu.region"() ({
      %run_scoped3A = tpu.sem_alloc : memref<!tpu.dma_semaphore, #tpu.memory_space<semaphore_mem>>
      %dma_start3A = arith.constant 0 : i32
      %dma_start3A_40 = tpu.memref_slice %arg6[%dma_start3A] : memref<4176xi32, #tpu.memory_space<vmem>> -> memref<2080xi32, #tpu.memory_space<vmem>>
      %dma_start3A_41 = tpu.memref_slice %arg2[%min3A_26] : memref<16384xi32, #tpu.memory_space<hbm>> -> memref<2080xi32, #tpu.memory_space<hbm>>
      %dma_start3A_42 = arith.constant 0 : i32
      %dma_start3A_43 = tpu.memref_slice %arg6[%dma_start3A_42] : memref<4176xi32, #tpu.memory_space<vmem>> -> memref<2080xi32, #tpu.memory_space<vmem>>
      %dma_start3A_44 = tpu.memref_slice %arg2[%min3A_26] : memref<16384xi32, #tpu.memory_space<hbm>> -> memref<2080xi32, #tpu.memory_space<hbm>>
      tpu.enqueue_dma source(%dma_start3A_44 : memref<2080xi32, #tpu.memory_space<hbm>>) target(%dma_start3A_43 : memref<2080xi32, #tpu.memory_space<vmem>>) target_semaphore(%run_scoped3A : memref<!tpu.dma_semaphore, #tpu.memory_space<semaphore_mem>>)
      %dma_wait3A = arith.constant 0 : i32
      %dma_wait3A_45 = tpu.memref_slice %arg6[%dma_wait3A] : memref<4176xi32, #tpu.memory_space<vmem>> -> memref<2080xi32, #tpu.memory_space<vmem>>
      %dma_wait3A_46 = tpu.memref_slice %arg2[%min3A_26] : memref<16384xi32, #tpu.memory_space<hbm>> -> memref<2080xi32, #tpu.memory_space<hbm>>
      %dma_wait3A_47 = arith.constant 0 : i32
      %dma_wait3A_48 = tpu.memref_slice %arg6[%dma_wait3A_47] : memref<4176xi32, #tpu.memory_space<vmem>> -> memref<2080xi32, #tpu.memory_space<vmem>>
      %dma_wait3A_49 = tpu.memref_slice %arg2[%min3A_26] : memref<16384xi32, #tpu.memory_space<hbm>> -> memref<2080xi32, #tpu.memory_space<hbm>>
      tpu.wait_dma2 semaphore(%run_scoped3A : memref<!tpu.dma_semaphore, #tpu.memory_space<semaphore_mem>>) src(%dma_wait3A_49 : memref<2080xi32, #tpu.memory_space<hbm>>) dst(%dma_wait3A_48 : memref<2080xi32, #tpu.memory_space<vmem>>)
      tpu.yield
    }) : () -> ()
    %parallel_loop3A = arith.constant 0 : i32
    %parallel_loop3A_28 = arith.constant 2064 : i32
    %parallel_loop3A_29 = arith.constant 16 : i32
    scf.for %parallel_loop3A_40 = %parallel_loop3A to %parallel_loop3A_28 step %parallel_loop3A_29  : i32 {
      %parallel_loop3A_41 = vector.broadcast %parallel_loop3A_40 : i32 to vector<16xi32>
      %parallel_loop3A_42 = arith.addi %iota3A, %parallel_loop3A_41 : vector<16xi32>
      %parallel_loop3A_43 = arith.addi %sub3A_27, %parallel_loop3A_40 : i32
      %parallel_loop3A_44 = arith.index_cast %parallel_loop3A_43 : i32 to index
      %parallel_loop3A_45 = tpu.vector_load %arg6[%parallel_loop3A_44] {strides = array<i32>} : memref<4176xi32, #tpu.memory_space<vmem>>, vector<16xi32>,
      %parallel_loop3A_46 = vector.shape_cast %parallel_loop3A_45 : vector<16xi32> to vector<16xi32>
      %parallel_loop3A_47 = vector.broadcast %sub3A : i32 to vector<16xi32>
      %parallel_loop3A_48 = arith.cmpi slt, %parallel_loop3A_42, %parallel_loop3A_47 : vector<16xi32>
      %parallel_loop3A_49 = vector.broadcast %sub3A : i32 to vector<16xi32>
      %parallel_loop3A_50 = arith.cmpi eq, %parallel_loop3A_42, %parallel_loop3A_49 : vector<16xi32>
      %parallel_loop3A_51 = arith.constant 3 : i32
      %parallel_loop3A_52 = vector.broadcast %parallel_loop3A_51 : i32 to vector<16xi32>
      %parallel_loop3A_53 = arith.constant 0 : i32
      %parallel_loop3A_54 = vector.broadcast %parallel_loop3A_53 : i32 to vector<16xi32>
      %parallel_loop3A_55 = arith.select %parallel_loop3A_50, %parallel_loop3A_52, %parallel_loop3A_54 : vector<16xi1>, vector<16xi32>
      %parallel_loop3A_56 = arith.select %parallel_loop3A_48, %parallel_loop3A_46, %parallel_loop3A_55 : vector<16xi1>, vector<16xi32>
      %parallel_loop3A_57 = arith.constant 1 : i32
      %parallel_loop3A_58 = arith.addi %parallel_loop3A_57, %parallel_loop3A_40 : i32
      %parallel_loop3A_59 = arith.index_cast %parallel_loop3A_58 : i32 to index
      %parallel_loop3A_60 = tpu.vector_load %arg7[%parallel_loop3A_59] {strides = array<i32>} : memref<2176xi32, #tpu.memory_space<vmem>>, vector<16xi32>,
      %parallel_loop3A_61 = vector.shape_cast %parallel_loop3A_60 : vector<16xi32> to vector<16xi32>
      %parallel_loop3A_62 = vector.shape_cast %parallel_loop3A_56 : vector<16xi32> to vector<16xi32>
      tpu.vector_store %arg7[%parallel_loop3A_59], %parallel_loop3A_62 {strides = array<i32>} : memref<2176xi32, #tpu.memory_space<vmem>>, vector<16xi32>,
    } {sc.loop_unroll_factor = 4 : i64, sc.parallel_access}
    %get3A_30 = arith.constant 0 : index
    %get3A_31 = tpu.vector_load %arg7[%get3A_30] {strides = array<i32>} : memref<2176xi32, #tpu.memory_space<vmem>>, vector<16xi32>,
    %get3A_32 = vector.shape_cast %get3A_31 : vector<16xi32> to vector<16xi32>
    %eq3A = arith.constant 0 : i32
    %eq3A_33 = vector.broadcast %eq3A : i32 to vector<16xi32>
    %eq3A_34 = arith.cmpi eq, %iota3A, %eq3A_33 : vector<16xi32>
    %broadcast_in_dim3A = arith.constant 2 : i32
    %broadcast_in_dim3A_35 = vector.broadcast %broadcast_in_dim3A : i32 to vector<16xi32>
    %select_n3A_36 = arith.select %eq3A_34, %broadcast_in_dim3A_35, %get3A_32 : vector<16xi1>, vector<16xi32>
    %swap3A = arith.constant 0 : index
    %swap3A_37 = tpu.vector_load %arg7[%swap3A] {strides = array<i32>} : memref<2176xi32, #tpu.memory_space<vmem>>, vector<16xi32>,
    %swap3A_38 = vector.shape_cast %swap3A_37 : vector<16xi32> to vector<16xi32>
    %swap3A_39 = vector.shape_cast %select_n3A_36 : vector<16xi32> to vector<16xi32>
    tpu.vector_store %arg7[%swap3A], %swap3A_39 {strides = array<i32>} : memref<2176xi32, #tpu.memory_space<vmem>>, vector<16xi32>,
    "tpu.region"() ({
      %run_scoped3A = tpu.sem_alloc : memref<!tpu.dma_semaphore, #tpu.memory_space<semaphore_mem>>
      %dma_start3A = arith.constant 0 : i32
      %dma_start3A_40 = tpu.memref_slice %arg7[%dma_start3A] : memref<2176xi32, #tpu.memory_space<vmem>> -> memref<2176xi32, #tpu.memory_space<vmem>>
      %dma_start3A_41 = arith.constant 0 : i32
      %dma_start3A_42 = tpu.memref_slice %arg4[%arg1, %dma_start3A_41] : memref<16x2176xi32, #tpu.memory_space<hbm>> -> memref<1x2176xi32, #tpu.memory_space<hbm>>
      %dma_start3A_43 = tpu.memref_squeeze %dma_start3A_42 : memref<1x2176xi32, #tpu.memory_space<hbm>> -> memref<2176xi32, #tpu.memory_space<hbm>>
      %dma_start3A_44 = arith.constant 0 : i32
      %dma_start3A_45 = tpu.memref_slice %arg4[%arg1, %dma_start3A_44] : memref<16x2176xi32, #tpu.memory_space<hbm>> -> memref<1x2176xi32, #tpu.memory_space<hbm>>
      %dma_start3A_46 = tpu.memref_squeeze %dma_start3A_45 : memref<1x2176xi32, #tpu.memory_space<hbm>> -> memref<2176xi32, #tpu.memory_space<hbm>>
      %dma_start3A_47 = arith.constant 0 : i32
      %dma_start3A_48 = tpu.memref_slice %arg7[%dma_start3A_47] : memref<2176xi32, #tpu.memory_space<vmem>> -> memref<2176xi32, #tpu.memory_space<vmem>>
      tpu.enqueue_dma source(%dma_start3A_48 : memref<2176xi32, #tpu.memory_space<vmem>>) target(%dma_start3A_46 : memref<2176xi32, #tpu.memory_space<hbm>>) target_semaphore(%run_scoped3A : memref<!tpu.dma_semaphore, #tpu.memory_space<semaphore_mem>>)
      %dma_wait3A = arith.constant 0 : i32
      %dma_wait3A_49 = tpu.memref_slice %arg7[%dma_wait3A] : memref<2176xi32, #tpu.memory_space<vmem>> -> memref<2176xi32, #tpu.memory_space<vmem>>
      %dma_wait3A_50 = arith.constant 0 : i32
      %dma_wait3A_51 = tpu.memref_slice %arg4[%arg1, %dma_wait3A_50] : memref<16x2176xi32, #tpu.memory_space<hbm>> -> memref<1x2176xi32, #tpu.memory_space<hbm>>
      %dma_wait3A_52 = tpu.memref_squeeze %dma_wait3A_51 : memref<1x2176xi32, #tpu.memory_space<hbm>> -> memref<2176xi32, #tpu.memory_space<hbm>>
      %dma_wait3A_53 = arith.constant 0 : i32
      %dma_wait3A_54 = tpu.memref_slice %arg4[%arg1, %dma_wait3A_53] : memref<16x2176xi32, #tpu.memory_space<hbm>> -> memref<1x2176xi32, #tpu.memory_space<hbm>>
      %dma_wait3A_55 = tpu.memref_squeeze %dma_wait3A_54 : memref<1x2176xi32, #tpu.memory_space<hbm>> -> memref<2176xi32, #tpu.memory_space<hbm>>
      %dma_wait3A_56 = arith.constant 0 : i32
      %dma_wait3A_57 = tpu.memref_slice %arg7[%dma_wait3A_56] : memref<2176xi32, #tpu.memory_space<vmem>> -> memref<2176xi32, #tpu.memory_space<vmem>>
      tpu.wait_dma2 semaphore(%run_scoped3A : memref<!tpu.dma_semaphore, #tpu.memory_space<semaphore_mem>>) src(%dma_wait3A_57 : memref<2176xi32, #tpu.memory_space<vmem>>) dst(%dma_wait3A_55 : memref<2176xi32, #tpu.memory_space<hbm>>)
      tpu.yield
    }) : () -> ()
    return
  }
}

</mosaic_0001>

<sc_bundles>
// kernel: kernel.3.cloned.1.call-start
scs
__scs_entry_jumppad:
0x0: {  	(pc) =	sbr.rel $0x88, $3  }
0x1: {  	(tag) =	ssettag $0x0;
	lr =	simm.s32 $0x1  }
0x2: {  	[smem:$0x3F9F] =	sst lr;
	_ =	strace $0xD0000000  }
0x3: {  	_ = 	snop  }
0x4: {  	_ = 	snop  }
0x5: {  	_ = 	snop  }
0x6: {  	_ = 	snop  }
0x7: {  	_ = 	snop  }
__scs_overlays_trampoline_lowered:
0x8: {  	[smem:$0x3FAE] =	sst s0  }
0x9: {  	[smem:$0x3FAF] =	sst s1  }
0xa: {  	[smem:$0x3FB0] =	sst s2  }
0xb: {  	[smem:$0x3FB1] =	sst s3  }
0xc: {  	[smem:$0x3FB2] =	sst s4  }
0xd: {  	[smem:$0x3FB3] =	sst s5  }
0xe: {  	[smem:$0x3FB4] =	sst s6  }
0xf: {  	[smem:$0x3FB5] =	sst s7  }
0x10: {  	[smem:$0x3FB6] =	sst s8  }
0x11: {  	[smem:$0x3FB7] =	sst s9;
	s0 =	simm.s32 @!p0 $0x0  }
0x12: {  	s1 =	sld [smem:$0x3F9D];
	s0 =	simm.s32 @p0 $0x1  }
0x13: {  	[smem:$0x3FB8] =	sst s0;
	s0 =	simm.s32 @!p1 $0x0  }
0x14: {  	s2 =	sld [smem:$0x3F9C];
	s0 =	simm.s32 @p1 $0x1  }
0x15: {  	[smem:$0x3FB9] =	sst s0;
	s0 =	simm.s32 @!p2 $0x0  }
0x16: {  	s3 =	sld [smem:$0x3FDB];
	s0 =	simm.s32 @p2 $0x1  }
0x17: {  	s4 =	simm.s32 $0x1BF5;
	[smem:$0x3FBB] =	sst s0  }
0x18: {  	s0 =	sld [smem:$0x3F9E];
	_ =	swait.ge [sflag:s4], $0x0  }
0x19: {  	s7 =	sld [smem:$0x3F9F]  }
0x1a: {  	s8 =	sadd.s32 $0xFFFFE003, lr  }
0x1b: {  	s9 =	sadd.s32 $0xFFFFFEF7, lr;
	s5 =	simm.s32 $0xFFFFFFFF;
	p2 =	slt.u32 s8, $0xFFFFF086  }
0x1c: {  	p1 =	slt.u32 s9, $0xF7A;
	s5 =	simm.s32 @!p2 $0x0  }
0x1d: {  	s5 =	simm.s32 @p1 $0x1;
	p0 =	seq.s32 s7, s2  }
0x1e: {  	s7 =	smul.u32 @!p0 $0xF7A, s2;
	p2 =	seq.s32 @!p0 s5, $0x0  }
0x1f: {  	s9 =	smul.u32 $0xF7A, s1;
	s8 =	simm.s32 @!p0 $0x1BF5;
	p2 =	por !p2, p0  }
0x20: {  	[sflag:s8] =	ssyncset.s32 @!p0 $0xFFFFF086;
	s6 =	sadd.s32 @!p0 s3, s7;
	s7 =	simm.s32 @!p0 $0x108  }
0x21: {  	s3 =	sadd.s32 s3, s9;
	s6 =	sadd.s32 @!p0 $0x88, s6;
	s7 =	simm.s32 @p2 $0x1082  }
0x22: {  	[simem:s7], [sflag:s8] =	dma.local @!p0 [hbm:s6], $0xF7A  }
0x23: {  	s9 =	sor.u32 $0xD0000000, s2;
	s6 =	simm.s32 $0x108;
	_ =	swait.ge @!p0 [sflag:s8], $0x0  }
0x24: {  	s3 =	sadd.s32 $0x88, s3;
	s6 =	simm.s32 @!p1 $0x1082;
	[sflag:s4] =	ssyncset.s32 $0xFFFFF086  }
0x25: {  	[simem:s6], [sflag:s4] =	dma.local [hbm:s3], $0xF7A  }
0x26: {  	[smem:$0x3F9F] =	sst s1;
	(tag) =	ssettag s2;
	_ =	strace s9  }
0x27: {  	s1 =	sld [smem:$0x3FAF]  }
0x28: {  	s2 =	sld [smem:$0x3FB0]  }
0x29: {  	s4 =	sld [smem:$0x3FB2]  }
0x2a: {  	p0 =	seq.s32 s5, $0x0;
	s5 =	sld [smem:$0x3FB3]  }
0x2b: {  	s6 =	sld [smem:$0x3FB4]  }
0x2c: {  	s7 =	sld [smem:$0x3FB5]  }
0x2d: {  	s3 =	simm.s32 $0x108;
	s8 =	sld [smem:$0x3FB6]  }
0x2e: {  	s3 =	simm.s32 @!p0 $0x1082;
	s9 =	sld [smem:$0x3FB7]  }
0x2f: {  	lr =	sadd.s32 s0, s3;
	s0 =	sld [smem:$0x3FAE]  }
0x30: {  	s3 =	sld [smem:$0x3FB1]  }
0x31: {  	[smem:$0x3FBA] =	sst s10  }
0x32: {  	s10 =	sld [smem:$0x3FB8];
	_ =	sdelay $0x3  }
0x33: {  	p0 =	seq.s32 s10, $0x1;
	s10 =	sld [smem:$0x3FBA];
	_ =	sdelay $0x3  }
0x34: {  	[smem:$0x3FBA] =	sst s10  }
0x35: {  	s10 =	sld [smem:$0x3FB9];
	_ =	sdelay $0x3  }
0x36: {  	p1 =	seq.s32 s10, $0x1;
	s10 =	sld [smem:$0x3FBA];
	_ =	sdelay $0x3  }
0x37: {  	[smem:$0x3FBA] =	sst s10  }
0x38: {  	s10 =	sld [smem:$0x3FBB]  }
0x39: {  	_ = 	snop;
	(pc) =	sbr.ind lr, $3  }
0x3a: {  	_ = 	snop  }
0x3b: {  	_ = 	snop  }
0x3c: {  	p2 =	seq.s32 s10, $0x1;
	s10 =	sld [smem:$0x3FBA]  }
0x3d: {  	_ =	shalt  }
0x3e: {  	_ =	shalt  }
0x3f: {  	_ =	shalt  }
0x40: {  	_ =	shalt  }
0x41: {  	_ =	shalt  }
0x42: {  	_ =	shalt  }
0x43: {  	_ =	shalt  }
0x44: {  	_ =	shalt  }
0x45: {  	_ =	shalt  }
0x46: {  	_ =	shalt  }
0x47: {  	_ =	shalt  }
0x48: {  	_ =	shalt  }
0x49: {  	_ =	shalt  }
0x4a: {  	_ =	shalt  }
0x4b: {  	_ =	shalt  }
0x4c: {  	_ =	shalt  }
0x4d: {  	_ =	shalt  }
0x4e: {  	_ =	shalt  }
0x4f: {  	_ =	shalt  }
0x50: {  	_ =	shalt  }
0x51: {  	_ =	shalt  }
0x52: {  	_ =	shalt  }
0x53: {  	_ =	shalt  }
0x54: {  	_ =	shalt  }
0x55: {  	_ =	shalt  }
0x56: {  	_ =	shalt  }
0x57: {  	_ =	shalt  }
0x58: {  	_ =	shalt  }
0x59: {  	_ =	shalt  }
0x5a: {  	_ =	shalt  }
0x5b: {  	_ =	shalt  }
0x5c: {  	_ =	shalt  }
0x5d: {  	_ =	shalt  }
0x5e: {  	_ =	shalt  }
0x5f: {  	_ =	shalt  }
0x60: {  	_ =	shalt  }
0x61: {  	_ =	shalt  }
0x62: {  	_ =	shalt  }
0x63: {  	_ =	shalt  }
0x64: {  	_ =	shalt  }
0x65: {  	_ =	shalt  }
0x66: {  	_ =	shalt  }
0x67: {  	_ =	shalt  }
0x68: {  	_ =	shalt  }
0x69: {  	_ =	shalt  }
0x6a: {  	_ =	shalt  }
0x6b: {  	_ =	shalt  }
0x6c: {  	_ =	shalt  }
0x6d: {  	_ =	shalt  }
0x6e: {  	_ =	shalt  }
0x6f: {  	_ =	shalt  }
0x70: {  	_ =	shalt  }
0x71: {  	_ =	shalt  }
0x72: {  	_ =	shalt  }
0x73: {  	_ =	shalt  }
0x74: {  	_ =	shalt  }
0x75: {  	_ =	shalt  }
0x76: {  	_ =	shalt  }
0x77: {  	_ =	shalt  }
0x78: {  	_ =	shalt  }
0x79: {  	_ =	shalt  }
0x7a: {  	_ =	shalt  }
0x7b: {  	_ =	shalt  }
0x7c: {  	_ =	shalt  }
0x7d: {  	_ =	shalt  }
0x7e: {  	_ =	shalt  }
0x7f: {  	_ =	shalt  }
0x80: {  	_ =	shalt  }
0x81: {  	_ =	shalt  }
0x82: {  	_ =	shalt  }
0x83: {  	_ =	shalt  }
0x84: {  	_ =	shalt  }
0x85: {  	_ =	shalt  }
0x86: {  	_ =	shalt  }
0x87: {  	_ =	shalt  }
.Lfunc_end0:
.L_simem_size_0:
called_computation_lowered:
.L_overlay_start_0:
0x88: {  	s0 =	sld [smem:$0x3FD9]  }
0x89: {  	s1 =	sld [smem:$0x3FFE];
	_ =	sdelay $0x3  }
0x8a: {  	s0 =	sadd.s32 s1, s0  }
0x8b: {  	[smem:$0x3FC6] =	sst s0  }
0x8c: {  	_ = 	snop  }
0x8d: {  	s0 =	sld [smem:$0x3FC9]  }
0x8e: {  	s17 =	sld [smem:$0x3FC8]  }
0x8f: {  	s2 =	sld [smem:$0x3FD0];
	(tm) =	ssettm $0x1  }
0x90: {  	s3 =	sld [smem:$0x3FFB];
	_ =	sdelay $0x3  }
0x91: {  	_ =	strace s3  }
0x92: {  	s3 =	sld [smem:$0x3FFC];
	_ =	sdelay $0x3  }
0x93: {  	_ =	strace s3  }
0x94: {  	s3 =	sld [smem:$0x3FFD];
	_ =	sdelay $0x3  }
0x95: {  	_ =	strace s3  }
0x96: {  	_ =	strace $0x8FFFFFFF  }
0x97: {  	s18 =	sld [smem:$0x3FDB];
	_ =	sdelay $0x1  }
0x98: {  	s4 =	simm.s32 $_scs_section_size  }
0x99: {  	s5 =	simm.s32 $_size__tile_overlayer_lowered;
	s6 =	simm.s32 $_tile_overlayer_lowered  }
0x9a: {  	s21 =	simm.s32 $0x1BFF;
	s20 =	sshll.u32 s6, $0x1;
	s3 =	sadd.s32 s4, s18  }
0x9b: {  	s7 =	simm.s32 $0x0;
	s19 =	sshll.u32 s5, $0x1;
	s5 =	sadd.s32 s20, s3  }
0x9c: {  	[timem:s7], [sflag:s21] =	dma.local [hbm:s5], s19  }
0x9d: {  	_ =	swait.ge [sflag:s21], s19  }
0x9e: {  	s4 =	ssub.s32 $0x0, s19;
	[sflag:s21] =	ssyncset.done $0x0  }
0x9f: {  	[sflag:s21] =	ssyncadd.s32 s4;
	_ =	sdelay $0x1  }
0xa0: {  	s22 =	simm.s32 $0x1B8B  }
0xa1: {  	_ =	swait.ge [sflag:s22], $0x1  }
0xa2: {  	[sflag:s22] =	ssyncset.done $0x0  }
0xa3: {  	s23 =	simm.s32 $0x1B8E;
	[sflag:s22] =	ssyncadd.s32 $0xFFFFFFFF  }
0xa4: {  	s24 =	simm.s32 $execute0_lowered;
	[smem:$0x3FD2] =	sst s23  }
0xa5: {  	s4 =	sshll.u32 s24, $0x1;
	_ =	strace $0x80000046;
	[dreg:$0x1] =	wrdreg $0xFFFFFFFF  }
0xa6: {  	s25 =	simm.s32 $_size_execute0_lowered;
	s3 =	sadd.s32 s3, s4;
	[dreg:$0x0] =	wrdreg $0x0  }
0xa7: {  	s4 =	sshll.u32 s25, $0x1;
	[dreg:$0x2] =	wrdreg s3  }
0xa8: {  	[dreg:$0x3] =	wrdreg s4  }
0xa9: {  	[dreg:$0x4] =	wrdreg $0xC0  }
0xaa: {  	_ =	task [dreg:s7], $0x5FFFF  }
0xab: {  	[dreg:$0x1] =	wrdreg $0xFFFFFFFF  }
0xac: {  	[dreg:$0x0] =	wrdreg $0x60  }
0xad: {  	[dreg:$0x2] =	wrdreg s0  }
0xae: {  	[dreg:$0x3] =	wrdreg s17  }
0xaf: {  	[dreg:$0x4] =	wrdreg s2  }
0xb0: {  	[dreg:$0x5] =	wrdreg $0x9  }
0xb1: {  	_ =	task.clear_ibuf [dreg:s7], $0x6FFFF;
	_ =	strace $0x90000046  }
0xb2: {  	s26 =	simm.s32 $0x9;
	_ =	strace $0x80000048  }
0xb3: {  	_ =	swait.ge [sflag:s26], $0x1  }
0xb4: {  	[sflag:s26] =	ssyncadd.s32 $0xFFFFFFFF  }
0xb5: {  	_ =	strace $0x90000048  }
0xb6: {  	_ =	sfence  }
0xb7: {  	s28 =	sld [smem:$0x0];
	_ =	sdelay $0x1  }
0xb8: {  	s29 =	srdreg.scid  }
0xb9: {  	s30 =	sshll.u32 s29, $0xD;
	s31 =	sshrl.u32 s29, $0x2  }
0xba: {  	s1 =	sand.u32 $0x1, s29;
	s2 =	sand.u32 $0x4000, s30;
	s0 =	sadd.s32 s31, s28  }
0xbb: {  	s1 =	sor.u32 s2, s1;
	s0 =	sshll.u32 s0, $0x11  }
0xbc: {  	s0 =	sor.u32 s0, s1  }
0xbd: {  	s0 =	sadd.s32 $0x8F2B, s0  }
0xbe: {  	[sflag:s0] =	ssyncadd.remote.s32 $0x1  }
0xbf: {  	_ =	sfence.sel $0xFFFF  }
0xc0: {  	[dreg:$0x0] =	wrdreg $0xFFFFFFFF;
	(pc) =	sbr.abs _section_cstart, $3  }
0xc1: {  	[dreg:$0x1] =	wrdreg $0xFFFFFFFF  }
0xc2: {  	_ =	task.clear_ibuf [dreg:s7], $0x2FFFF;
	_ =	strace $0x9FFFFFFF  }
0xc3: {  	(tm) =	ssettm $0x7FFFFFFF  }
tec
execute0_lowered:
.L_overlay_start_1:
0x0: {  	(tag) =	ssettag $0x1  }
0x1: {  	s3 =	rddreg [dreg:$0x0]  }
0x2: {  	s1 =	rddreg [dreg:$0x1]  }
0x3: {  	s2 =	rddreg [dreg:$0x2];
	s4 =	simm.s32 $0x0  }
0x4: {  	[smem:$0x7FF] =	sst s4  }
0x5: {  	s0 =	rddreg [dreg:$0x3];
	s5 =	simm.s32 $0x1;
	_ =	strace $0x80000047  }
0x6: {  	[tilespmem:s4], [sflag:$0x1] =	stream.linear.gather [hbm4b:s1+s4], $0x11, $0x38;
	[tilespmem:$0x1980] =	vst v63  }
0x7: {  	_ =	swait.ge [sflag:s5], $0x11  }
0x8: {  	[sflag:s5] =	ssyncset.done $0x0  }
0x9: {  	s1 =	stileid.u32;
	[sflag:s5] =	ssyncadd.s32 $0xFFFFFFEF  }
0xa: {  	v0 =	vld [tilespmem:s1+$0x0];
	_ =	sdelay $0x4  }
0xb: {  	(v2sf) =	vpush v0, $0x0;
	_ =	sdelay $0x7  }
0xc: {  	v0 =	vld [tilespmem:s1+$0x1];
	_ =	sdelay $0x4  }
0xd: {  	(v2sf) =	vpush v0, $0x0;
	_ =	sdelay $0x1  }
0xe: {  	s6 =	spop (v2sf)  }
0xf: {  	s7 =	sand.u32 $0x7, s6  }
0x10: {  	s8 =	sshra.s32 s6, $0x1F;
	p0 =	slt.s32 s6, $0x1;
	p1 =	sne.s32 s7, $0x0  }
0x11: {  	s22 =	sshrl.u32 s8, $0x1D;
	p0 =	por !p0, !p1  }
0x12: {  	s8 =	simm.s32 $0x1;
	s7 =	sadd.s32 s22, s6;
	p0 =	por !p0, !p0  }
0x13: {  	s7 =	sshrl.u32 s7, $0x3;
	s8 =	simm.s32 @!p0 $0x0  }
0x14: {  	s7 =	ssub.s32 s7, s8  }
0x15: {  	s7 =	sshll.u32 s7, $0x3  }
0x16: {  	p0 =	slt.s32 s7, $0x37E0  }
0x17: {  	s7 =	simm.s32 @!p0 $0x37E0  }
0x18: {  	s24 =	simm.s32 $0x80;
	s23 =	sshrl.u32 s7, $0x3  }
0x19: {  	s25 =	sshll.u32 s6, $0x2;
	s26 =	sshll.u32 s7, $0x2;
	s3 =	sadd.s32 s3, s23  }
0x1a: {  	[tilespmem:s24], [sflag:$0x1] =	stream.linear.gather [hbm4b:s3+s4], $0x820, $0x38;
	[tilespmem:$0x1980] =	vst v63  }
0x1b: {  	s9 =	spop (v2sf);
	s3 =	ssub.s32 s25, s26  }
0x1c: {  	_ =	swait.ge [sflag:s5], $0x820;
	s3 =	sadd.s32 $0x80, s3  }
0x1d: {  	[sflag:s5] =	ssyncset.done $0x0;
	s3 =	sshra.s32 s3, $0x2  }
0x1e: {  	[sflag:s5] =	ssyncadd.s32 $0xFFFFF7E0;
	s3 =	sadd.s32 $0x80, s3  }
0x1f: {  	v2 =	vlaneseq.u32;
	s28 =	ssub.s32 s9, s6;
	v3 =	vld [tilespmem:s3+$0x10]  }
0x20: {  	s29 =	simm.s32 $0x30;
	v4 =	vor.u32 s4, v2;
	v0 =	vmov s28  }
0x21: {  	vm0 =	vlt.s32 v4, v0;
	vm1 =	veq.s32 v4, v0;
	v4 =	vor.u32 s29, v2  }
0x22: {  	v1 =	vimm.s32 $0x0;
	vm2 =	veq.s32 v4, v0;
	v5 =	vld [tilespmem:s3+$0xFFFFFFE0]  }
0x23: {  	v9 =	vsel vm1, $0x3, v1;
	vm1 =	vlt.s32 v4, v0;
	v4 =	vsel vm2, $0x3, v1;
	v6 =	vld [tilespmem:s3+$0xFFFFFFF0]  }
0x24: {  	s30 =	simm.s32 $0x10;
	v3 =	vsel vm1, v3, v4;
	v4 =	vld [tilespmem:s3+$0x0]  }
0x25: {  	s31 =	simm.s32 $0x20;
	v7 =	vor.u32 s30, v2  }
0x26: {  	v8 =	vor.u32 s31, v2;
	vm3 =	veq.s32 v7, v0;
	vm2 =	vlt.s32 v7, v0;
	s4 =	simm.s32 $0x1121  }
0x27: {  	v7 =	vsel vm3, $0x3, v1;
	s5 =	sadd.s32 $0x40, s3;
	v5 =	vsel vm0, v5, v9;
	vm1 =	veq.s32 v8, v0;
	[tilespmem:s4+$0x10] =	vst v3  }
0x28: {  	s3 =	ssub.s32 s6, s7;
	s6 =	simm.s32 $0x40;
	s7 =	simm.s32 $0x80;
	vm0 =	vlt.s32 v8, v0;
	v3 =	vld [tilespmem:s5+$0x10];
	[tilespmem:s4+$0xFFFFFFE0] =	vst v5;
	v5 =	vsel vm2, v6, v7;
	v6 =	vsel vm1, $0x3, v1  }
.LBB2_1:
0x29: {  	p0 =	slt.u32 s7, $0x7C0;
	v7 =	vor.u32 s6, v2;
	v8 =	vld [tilespmem:s5+$0xFFFFFFE0];
	s8 =	sadd.s32 $0x30, s6;
	[tilespmem:s4+$0xFFFFFFF0] =	vst v5;
	v4 =	vsel vm0, v4, v6  }
0x2a: {  	s9 =	sadd.s32 $0x10, s6;
	s10 =	sadd.s32 $0x20, s6;
	s6 =	smov.u32 s7;
	vm0 =	vlt.s32 v7, v0;
	vm1 =	veq.s32 v7, v0;
	v5 =	vld [tilespmem:s5+$0xFFFFFFF0];
	v6 =	vor.u32 s8, v2;
	[tilespmem:s4+$0x0] =	vst v4  }
.Ltmp0:
0x2b: {  	v7 =	vor.u32 s9, v2;
	v9 =	vor.u32 s10, v2;
	v4 =	vld [tilespmem:s5+$0x0];
	vm2 =	veq.s32 v6, v0;
	(pc) =	sbr.rel @p0 .LBB2_1-.Ltmp0, $4  }
0x2c: {  	v10 =	vsel vm1, $0x3, v1;
	vm1 =	vlt.s32 v6, v0;
	v6 =	vsel vm2, $0x3, v1  }
0x2d: {  	s4 =	sadd.s32 $0x40, s4;
	vm3 =	veq.s32 v7, v0;
	vm2 =	vlt.s32 v7, v0;
	v3 =	vsel vm1, v3, v6  }
0x2e: {  	s5 =	sadd.s32 $0x40, s5;
	v7 =	vsel vm3, $0x3, v1;
	vm1 =	veq.s32 v9, v0;
	v6 =	vsel vm0, v8, v10;
	[tilespmem:s4+$0x10] =	vst v3  }
0x2f: {  	s7 =	sadd.s32 $0x40, s7;
	vm0 =	vlt.s32 v9, v0;
	v3 =	vld [tilespmem:s5+$0x10];
	[tilespmem:s4+$0xFFFFFFE0] =	vst v6;
	v5 =	vsel vm2, v5, v7;
	v6 =	vsel vm1, $0x3, v1  }
0x30: {  	v7 =	vor.u32 s6, v2;
	v8 =	vld [tilespmem:s5+$0xFFFFFFE0];
	s7 =	sadd.s32 $0x30, s6;
	v4 =	vsel vm0, v4, v6  }
0x31: {  	s8 =	sadd.s32 $0x10, s6;
	v50 =	vld [tilespmem:s5+$0xFFFFFFF0];
	s23 =	sadd.s32 $0x20, s6;
	vm8 =	vlt.s32 v7, v0;
	vm1 =	veq.s32 v7, v0;
	v51 =	vor.u32 s7, v2  }
0x32: {  	v10 =	vld [tilespmem:s5+$0x0];
	v9 =	vor.u32 s8, v2;
	v52 =	vor.u32 s23, v2;
	vm2 =	veq.s32 v51, v0  }
0x33: {  	[tilespmem:s4+$0xFFFFFFF0] =	vst v5;
	v53 =	vsel vm1, $0x3, v1;
	vm9 =	vlt.s32 v51, v0;
	v54 =	vsel vm2, $0x3, v1  }
0x34: {  	s24 =	sadd.s32 $0x40, s4;
	[tilespmem:s4+$0x0] =	vst v4;
	vm10 =	vlt.s32 v9, v0;
	vm3 =	veq.s32 v9, v0;
	v3 =	vsel vm9, v3, v54  }
0x35: {  	vm11 =	veq.s32 v52, v0;
	v56 =	vsel vm3, $0x3, v1;
	v55 =	vsel vm8, v8, v53;
	[tilespmem:s24+$0x10] =	vst v3  }
0x36: {  	vm12 =	vlt.s32 v52, v0;
	v58 =	vsel vm11, $0x3, v1;
	v57 =	vsel vm10, v50, v56;
	[tilespmem:s24+$0xFFFFFFE0] =	vst v55  }
0x37: {  	v1 =	vsel vm12, v10, v58;
	[tilespmem:s24+$0xFFFFFFF0] =	vst v57  }
0x38: {  	[tilespmem:s24+$0x0] =	vst v1  }
0x39: {  	v1 =	vld [tilespmem:s3+$0x880]  }
0x3a: {  	v59 =	vlaneseq.u32;
	v3 =	vld [tilespmem:$0x1100]  }
0x3b: {  	s25 =	sshrl.u32 s1, $0x3;
	v60 =	vor.u32 $0x800, v59  }
0x3c: {  	s26 =	sshll.u32 s1, $0x7;
	v61 =	vimm.s32 $0x0;
	vm13 =	veq.s32 v0, v60;
	s3 =	smul.u32 $0x4400, s25  }
0x3d: {  	s4 =	sand.u32 $0x380, s26;
	vm14 =	vgt.s32 v0, v60;
	v62 =	vsel vm13, $0x3, v61  }
0x3e: {  	vm15 =	veq.s32 v59, $0x0;
	s3 =	sor.u32 s4, s3;
	v0 =	vsel vm14, v1, v62  }
0x3f: {  	s28 =	simm.s32 $0x80;
	s29 =	simm.s32 $0x400;
	s3 =	sshrl.u32 s3, $0x3;
	v63 =	vsel vm15, $0x2, v3;
	[tilespmem:$0x1901] =	vst v0  }
0x40: {  	s30 =	simm.s32 $0x1100;
	s31 =	simm.s32 $0x1;
	s2 =	sadd.s32 s2, s3;
	[tilespmem:$0x1100] =	vst v63  }
0x41: {  	[hbm4b:s2+s28] =	stream.strided.scatter [tilespmem:s30], [sflag:$0x1], $0x880, s29, s28, $0x38;
	[tilespmem:$0x1980] =	vst v63  }
0x42: {  	_ =	swait.ge [sflag:s31], $0x880  }
0x43: {  	[sflag:s31] =	ssyncset.done $0x0  }
0x44: {  	[sflag:s31] =	ssyncadd.s32 $0xFFFFF780  }
0x45: {  	_ =	sfence.sel $0x180000  }
0x46: {  	[bflag:$0x0] =	sbarrier.arrive $0xFFFF  }
0x47: {  	p0 =	sne.s32 s1, $0x0;
	_ =	strace $0x90000047  }
0x48: {  	s0 =	sadd.s32 @!p0 $0x100000, s0;
	[bflag:$0x2] =	sbarrier.arrive $0xFFFF  }
0x49: {  	[sflag:s0] =	ssyncadd.tile.s32 @!p0 $0x1;
	_ =	shalt  }
.Lfunc_end2:
_tile_overlayer_lowered:
.L_overlay_start_2:
0x4a: {  	(tag) =	ssettag $0x2  }
0x4b: {  	s0 =	rddreg [dreg:$0x0];
	s2 =	stileid.u32  }
0x4c: {  	s1 =	rddreg [dreg:$0x1];
	p0 =	sne.s32 s2, $0x0  }
0x4d: {  	s3 =	rddreg [dreg:$0x2];
	[bflag:$0x3] =	sbarrier.arrive $0xFFFF;
	s2 =	simm.s32 @!p0 $0x1C01  }
0x4e: {  	[timem:s3], [sflag:s2] =	dma.local @!p0 [hbm:s0], s1  }
0x4f: {  	s0 =	simm.s32 @!p0 $0x1  }
0x50: {  	_ =	swait.ge @!p0 [sflag:s0], s1  }
0x51: {  	s1 =	ssub.s32 @!p0 $0x0, s1;
	[sflag:s0] =	ssyncset.done @!p0 $0x0  }
0x52: {  	[sflag:s0] =	ssyncadd.s32 @!p0 s1  }
0x53: {  	[bflag:$0x3] =	sbarrier.arrive $0xFFFF  }
0x54: {  	_ =	shalt  }

</sc_bundles>
